<compile_context>
chip_gen: v7x
topology: tpu7x:2x2x1
jax: 0.10.2.dev20260603
libtpu: 0.0.44.dev20260713+nightly
codegen_flags: <defaults>
</compile_context>

<pallas_src>
import functools

import jax
import jax.numpy as jnp
from jax import lax
from jax.experimental import pallas as pl
from jax.experimental.pallas import tpu as pltpu
from jax.experimental.pallas import tpu_sc as plsc

KNB = 32
EPSV = 1e-5
FPAD = 128
OC = 64


TOPK_R = 256


def _topk_body(rows_ref, xyzt_ref, out_ref):
    b = pl.program_id(0)
    x = rows_ref[0]
    xt = xyzt_ref[0]
    nr = jnp.sum(x * x, axis=1, keepdims=True)
    nc = jnp.sum(xt * xt, axis=0, keepdims=True)
    d = (nr + nc) - 2.0 * jnp.dot(x, xt, preferred_element_type=jnp.float32)
    r, n = d.shape
    col = lax.broadcasted_iota(jnp.int32, (r, n), 1)
    kcol = lax.broadcasted_iota(jnp.int32, (r, KNB), 1)
    big = jnp.int32(2 ** 30)
    inf = jnp.float32(jnp.inf)

    def body(k, carry):
        dd, acc = carry
        m = jnp.min(dd, axis=1, keepdims=True)
        eq = dd == m
        am = jnp.min(jnp.where(eq, col, big), axis=1, keepdims=True)
        dd = jnp.where(col == am, inf, dd)
        acc = jnp.where(kcol == k, am, acc)
        return dd, acc

    _, acc = lax.fori_loop(0, KNB, body, (d, jnp.zeros((r, KNB), jnp.int32)))
    out_ref[0] = acc + b * n


def _topk(xyz):
    bsz, n, _ = xyz.shape
    xyzt = jnp.transpose(xyz, (0, 2, 1))
    return pl.pallas_call(
        _topk_body,
        grid=(bsz, n // TOPK_R),
        in_specs=[
            pl.BlockSpec((1, TOPK_R, 3), lambda b, r: (b, r, 0)),
            pl.BlockSpec((1, 3, n), lambda b, r: (b, 0, 0)),
        ],
        out_specs=pl.BlockSpec((1, TOPK_R, KNB), lambda b, r: (b, r, 0)),
        out_shape=jax.ShapeDtypeStruct((bsz, n, KNB), jnp.int32),
    )(xyz, xyzt)



SC_NC = 2
SC_NS = 16
SC_NW = SC_NC * SC_NS
GCHUNK = 128


def _gather_rows(table, idx3, nrows):
    per_w = nrows // SC_NW
    nch = per_w // GCHUNK
    mesh = plsc.VectorSubcoreMesh(core_axis_name="c", subcore_axis_name="s")

    @functools.partial(
        pl.kernel,
        mesh=mesh,
        out_type=jax.ShapeDtypeStruct((nrows, FPAD), jnp.float32),
        scratch_types=[
            pltpu.VMEM((nch, GCHUNK), jnp.int32),
            pltpu.VMEM((GCHUNK, FPAD), jnp.float32),
            pltpu.SemaphoreType.DMA,
        ],
    )
    def gather_k(idx_hbm, table_hbm, out_hbm, idx_v, buf, sem):
        wid = lax.axis_index("s") * SC_NC + lax.axis_index("c")
        base = wid * per_w
        pltpu.sync_copy(idx_hbm.at[wid], idx_v)

        def body(c, carry):
            pltpu.async_copy(table_hbm.at[idx_v.at[c]], buf, sem).wait()
            pltpu.sync_copy(buf, out_hbm.at[pl.ds(base + c * GCHUNK, GCHUNK)])
            return carry

        lax.fori_loop(0, nch, body, 0)

    return gather_k(idx3, table)



TROWS = 2048
TPTS = TROWS // KNB


def _stats1_body(feat_ref, cx_ref, w0_ref, wx_ref, b0_ref, s_ref, ss_ref):
    i = pl.program_id(0)
    f = feat_ref[...]
    y = jnp.dot(f, w0_ref[...], preferred_element_type=jnp.float32)
    y = y + b0_ref[...]
    corr = jnp.dot(cx_ref[...], wx_ref[...],
                   preferred_element_type=jnp.float32)
    y3 = y.reshape(TPTS, KNB, OC) - corr[:, None, :]

    @pl.when(i == 0)
    def _init():
        s_ref[...] = jnp.zeros_like(s_ref)
        ss_ref[...] = jnp.zeros_like(ss_ref)

    s_ref[...] += jnp.sum(y3, axis=(0, 1))[None, :]
    ss_ref[...] += jnp.sum(y3 * y3, axis=(0, 1))[None, :]


def _stats1(feat, cx, w0p, w0x, b0):
    nrows = feat.shape[0]
    grid = (nrows // TROWS,)
    return pl.pallas_call(
        _stats1_body,
        grid=grid,
        in_specs=[
            pl.BlockSpec((TROWS, FPAD), lambda i: (i, 0)),
            pl.BlockSpec((TPTS, 3), lambda i: (i, 0)),
            pl.BlockSpec((FPAD, OC), lambda i: (0, 0)),
            pl.BlockSpec((3, OC), lambda i: (0, 0)),
            pl.BlockSpec((1, OC), lambda i: (0, 0)),
        ],
        out_specs=[
            pl.BlockSpec((1, OC), lambda i: (0, 0)),
            pl.BlockSpec((1, OC), lambda i: (0, 0)),
        ],
        out_shape=[
            jax.ShapeDtypeStruct((1, OC), jnp.float32),
            jax.ShapeDtypeStruct((1, OC), jnp.float32),
        ],
    )(feat, cx, w0p, w0x, b0)


def _pass2_body(feat_ref, cx_ref, w0_ref, wx_ref, b0_ref, sc1_ref, sh1_ref,
                w1_ref, b1_ref, s_ref, ss_ref, mx_ref, mn_ref):
    i = pl.program_id(0)
    f = feat_ref[...]
    y = jnp.dot(f, w0_ref[...], preferred_element_type=jnp.float32)
    y = y + b0_ref[...]
    corr = jnp.dot(cx_ref[...], wx_ref[...],
                   preferred_element_type=jnp.float32)
    y3 = y.reshape(TPTS, KNB, OC) - corr[:, None, :]
    z = jnp.maximum(y3 * sc1_ref[...].reshape(1, 1, OC)
                    + sh1_ref[...].reshape(1, 1, OC), 0.0)
    y2 = jnp.dot(z.reshape(TROWS, OC), w1_ref[...],
                 preferred_element_type=jnp.float32) + b1_ref[...]

    @pl.when(i == 0)
    def _init():
        s_ref[...] = jnp.zeros_like(s_ref)
        ss_ref[...] = jnp.zeros_like(ss_ref)

    s_ref[...] += jnp.sum(y2, axis=0, keepdims=True)
    ss_ref[...] += jnp.sum(y2 * y2, axis=0, keepdims=True)
    y23 = y2.reshape(TPTS, KNB, OC)
    mx_ref[...] = jnp.max(y23, axis=1)
    mn_ref[...] = jnp.min(y23, axis=1)


def _pass2(feat, cx, w0p, w0x, b0, sc1, sh1, w1t, b1):
    nrows = feat.shape[0]
    npts = nrows // KNB
    grid = (nrows // TROWS,)
    return pl.pallas_call(
        _pass2_body,
        grid=grid,
        in_specs=[
            pl.BlockSpec((TROWS, FPAD), lambda i: (i, 0)),
            pl.BlockSpec((TPTS, 3), lambda i: (i, 0)),
            pl.BlockSpec((FPAD, OC), lambda i: (0, 0)),
            pl.BlockSpec((3, OC), lambda i: (0, 0)),
            pl.BlockSpec((1, OC), lambda i: (0, 0)),
            pl.BlockSpec((1, OC), lambda i: (0, 0)),
            pl.BlockSpec((1, OC), lambda i: (0, 0)),
            pl.BlockSpec((OC, OC), lambda i: (0, 0)),
            pl.BlockSpec((1, OC), lambda i: (0, 0)),
        ],
        out_specs=[
            pl.BlockSpec((1, OC), lambda i: (0, 0)),
            pl.BlockSpec((1, OC), lambda i: (0, 0)),
            pl.BlockSpec((TPTS, OC), lambda i: (i, 0)),
            pl.BlockSpec((TPTS, OC), lambda i: (i, 0)),
        ],
        out_shape=[
            jax.ShapeDtypeStruct((1, OC), jnp.float32),
            jax.ShapeDtypeStruct((1, OC), jnp.float32),
            jax.ShapeDtypeStruct((npts, OC), jnp.float32),
            jax.ShapeDtypeStruct((npts, OC), jnp.float32),
        ],
    )(feat, cx, w0p, w0x, b0, sc1, sh1, w1t, b1)


def _final_body(mx_ref, mn_ref, sc_ref, sh_ref, o_ref):
    a = mx_ref[...] * sc_ref[...] + sh_ref[...]
    b = mn_ref[...] * sc_ref[...] + sh_ref[...]
    o_ref[...] = jnp.maximum(jnp.maximum(a, b), 0.0)


def _final(mx, mn, sc2, sh2):
    npts = mx.shape[0]
    return pl.pallas_call(
        _final_body,
        grid=(1,),
        in_specs=[
            pl.BlockSpec((npts, OC), lambda i: (0, 0)),
            pl.BlockSpec((npts, OC), lambda i: (0, 0)),
            pl.BlockSpec((1, OC), lambda i: (0, 0)),
            pl.BlockSpec((1, OC), lambda i: (0, 0)),
        ],
        out_specs=pl.BlockSpec((npts, OC), lambda i: (0, 0)),
        out_shape=jax.ShapeDtypeStruct((npts, OC), jnp.float32),
    )(mx, mn, sc2, sh2)




def kernel(xyz, points, conv_w0, conv_b0, bn_g0, bn_b0,
           conv_w1, conv_b1, bn_g1, bn_b1):
    bsz, n, _ = xyz.shape
    d = points.shape[-1]
    bn = bsz * n
    nrows = bn * KNB

    idx = _topk(xyz)

    table = jnp.concatenate([xyz, points], axis=-1).reshape(bn, 3 + d)
    table = jnp.pad(table, ((0, 0), (0, FPAD - (3 + d))))
    idx3 = idx.reshape(SC_NW, nrows // (SC_NW * GCHUNK), GCHUNK)
    feat = _gather_rows(table, idx3, nrows)

    w0p = jnp.pad(jnp.transpose(conv_w0), ((0, FPAD - (3 + d)), (0, 0)))
    w0x = jnp.transpose(conv_w0[:, :3])
    b0 = conv_b0.reshape(1, OC)
    cx = xyz.reshape(bn, 3)

    cnt = float(nrows)
    s1, ss1 = _stats1(feat, cx, w0p, w0x, b0)
    mean1 = s1 / cnt
    var1 = ss1 / cnt - mean1 * mean1
    sc1 = bn_g0.reshape(1, OC) / jnp.sqrt(var1 + EPSV)
    sh1 = bn_b0.reshape(1, OC) - mean1 * sc1

    s2, ss2, mx, mn = _pass2(feat, cx, w0p, w0x, b0, sc1, sh1,
                             jnp.transpose(conv_w1), conv_b1.reshape(1, OC))
    mean2 = s2 / cnt
    var2 = ss2 / cnt - mean2 * mean2
    sc2 = bn_g1.reshape(1, OC) / jnp.sqrt(var2 + EPSV)
    sh2 = bn_b1.reshape(1, OC) - mean2 * sc2

    out = _final(mx, mn, sc2, sh2)
    return out.reshape(bsz, n, OC)

# --- scband reference (transcript-rebuilt; emitter-appended) ---
"""Pipeline reference for scband-transition-687194767474 (READ-ONLY COPY).

The authoritative reference and input builder live on the scoring server;
editing this copy changes nothing except your own understanding.
"""

import jax, jax.numpy as jnp
import numpy as np

NSAMPLE = 32
EPS = 1e-5


def square_distance(src, dst):
    return (jnp.sum(src ** 2, -1)[:, :, None]
            + jnp.sum(dst ** 2, -1)[:, None, :]
            - 2.0 * jnp.einsum('bnc,bmc->bnm', src, dst))


def index_points(points, idx):
    # points: [B, N, C], idx: [B, S, K] -> [B, S, K, C]
    return jax.vmap(lambda p, i: p[i])(points, idx)


def setup_inputs(seed: int = 0):
    key = jax.random.key(seed)
    ks = jax.random.split(key, 8)
    B, N, D = 4, 4096, 64
    xyz = jax.random.normal(ks[0], (B, N, 3), dtype=jnp.float32)
    points = jax.random.normal(ks[1], (B, N, D), dtype=jnp.float32)
    c_in = 3 + D
    mlp = [64, 64]
    inp = {'xyz': xyz, 'points': points}
    last = c_in
    ki = 2
    for li, out in enumerate(mlp):
        inp['conv_w%d' % li] = jax.random.normal(ks[ki], (out, last), dtype=jnp.float32) * (1.0 / np.sqrt(last))
        ki += 1
        inp['conv_b%d' % li] = jnp.zeros((out,), jnp.float32)
        inp['bn_g%d' % li] = jnp.ones((out,), jnp.float32)
        inp['bn_b%d' % li] = jnp.zeros((out,), jnp.float32)
        last = out
    return inp


def reference(xyz, points, conv_w0, conv_b0, bn_g0, bn_b0, conv_w1, conv_b1, bn_g1, bn_b1):
    B, N, C = xyz.shape
    dists = square_distance(xyz, xyz)
    idx = jnp.argsort(dists, axis=-1)[:, :, :NSAMPLE]
    grouped_xyz = index_points(xyz, idx)
    grouped_xyz_norm = grouped_xyz - xyz[:, :, None, :]
    grouped_points = index_points(points, idx)
    feat = jnp.concatenate([grouped_xyz_norm, grouped_points], axis=-1)
    x = jnp.transpose(feat, (0, 3, 2, 1))  # [B, C_in, nsample, N]
    for (w, b, g, beta) in ((conv_w0, conv_b0, bn_g0, bn_b0),
                            (conv_w1, conv_b1, bn_g1, bn_b1)):
        x = jnp.einsum('oc,bcsn->bosn', w, x) + b[None, :, None, None]
        mean = jnp.mean(x, axis=(0, 2, 3), keepdims=True)
        var = jnp.var(x, axis=(0, 2, 3), keepdims=True)
        x = g[None, :, None, None] * (x - mean) / jnp.sqrt(var + EPS) + beta[None, :, None, None]
        x = jax.nn.relu(x)
    x = jnp.max(x, axis=2)  # [B, C_out, N]
    return jnp.transpose(x, (0, 2, 1))

if __name__ == "__main__":
    import jax
    _d = setup_inputs()
    print(jax.jit(kernel)(*tuple(_d.values())))

</pallas_src>

<mosaic_0001>
#map = affine_map<(d0, d1) -> (0, 0, 0)>
#map1 = affine_map<(d0, d1) -> (0, 0)>
module attributes {stable_mosaic.version = 14 : i64} {
  func.func @gather_k(%arg0: i32, %arg1: i32, %arg2: memref<32x128x128xi32, #tpu.memory_space<hbm>>, %arg3: memref<16384x128xf32, #tpu.memory_space<hbm>>, %arg4: memref<524288x128xf32, #tpu.memory_space<hbm>>, %arg5: memref<128x128xi32, #tpu.memory_space<vmem>>, %arg6: memref<128x128xf32, #tpu.memory_space<vmem>>, %arg7: memref<!tpu.dma_semaphore, #tpu.memory_space<semaphore_mem>>) attributes {dimension_semantics = [#tpu.dimension_semantics<core_parallel>, #tpu.dimension_semantics<subcore_parallel>], iteration_bounds = array<i64: 2, 16>, scalar_prefetch = 0 : i64, scratch_operands = 3 : i64, tpu.core_type = #tpu.core_type<sc_vector_subcore>, window_params = [{transform_indices = #map}, {transform_indices = #map1}, {transform_indices = #map1}]} {
    %mul3A = arith.constant 2 : i32
    %mul3A_0 = arith.muli %arg1, %mul3A : i32
    %add3A = arith.addi %mul3A_0, %arg0 : i32
    %mul3A_1 = arith.constant 16384 : i32
    %mul3A_2 = arith.muli %add3A, %mul3A_1 : i32
    "tpu.region"() ({
      %run_scoped3A = tpu.sem_alloc : memref<!tpu.dma_semaphore, #tpu.memory_space<semaphore_mem>>
      %dma_start3A = arith.constant 0 : i32
      %dma_start3A_8 = arith.constant 0 : i32
      %dma_start3A_9 = tpu.memref_slice %arg2[%add3A, %dma_start3A, %dma_start3A_8] : memref<32x128x128xi32, #tpu.memory_space<hbm>> -> memref<1x128x128xi32, #tpu.memory_space<hbm>>
      %dma_start3A_10 = tpu.memref_squeeze %dma_start3A_9 : memref<1x128x128xi32, #tpu.memory_space<hbm>> -> memref<128x128xi32, #tpu.memory_space<hbm>>
      %dma_start3A_11 = arith.constant 0 : i32
      %dma_start3A_12 = arith.constant 0 : i32
      %dma_start3A_13 = tpu.memref_slice %arg2[%add3A, %dma_start3A_11, %dma_start3A_12] : memref<32x128x128xi32, #tpu.memory_space<hbm>> -> memref<1x128x128xi32, #tpu.memory_space<hbm>>
      %dma_start3A_14 = tpu.memref_squeeze %dma_start3A_13 : memref<1x128x128xi32, #tpu.memory_space<hbm>> -> memref<128x128xi32, #tpu.memory_space<hbm>>
      tpu.enqueue_dma source(%dma_start3A_14 : memref<128x128xi32, #tpu.memory_space<hbm>>) target(%arg5 : memref<128x128xi32, #tpu.memory_space<vmem>>) target_semaphore(%run_scoped3A : memref<!tpu.dma_semaphore, #tpu.memory_space<semaphore_mem>>)
      %dma_wait3A = arith.constant 0 : i32
      %dma_wait3A_15 = arith.constant 0 : i32
      %dma_wait3A_16 = tpu.memref_slice %arg2[%add3A, %dma_wait3A, %dma_wait3A_15] : memref<32x128x128xi32, #tpu.memory_space<hbm>> -> memref<1x128x128xi32, #tpu.memory_space<hbm>>
      %dma_wait3A_17 = tpu.memref_squeeze %dma_wait3A_16 : memref<1x128x128xi32, #tpu.memory_space<hbm>> -> memref<128x128xi32, #tpu.memory_space<hbm>>
      %dma_wait3A_18 = arith.constant 0 : i32
      %dma_wait3A_19 = arith.constant 0 : i32
      %dma_wait3A_20 = tpu.memref_slice %arg2[%add3A, %dma_wait3A_18, %dma_wait3A_19] : memref<32x128x128xi32, #tpu.memory_space<hbm>> -> memref<1x128x128xi32, #tpu.memory_space<hbm>>
      %dma_wait3A_21 = tpu.memref_squeeze %dma_wait3A_20 : memref<1x128x128xi32, #tpu.memory_space<hbm>> -> memref<128x128xi32, #tpu.memory_space<hbm>>
      tpu.wait_dma2 semaphore(%run_scoped3A : memref<!tpu.dma_semaphore, #tpu.memory_space<semaphore_mem>>) src(%dma_wait3A_21 : memref<128x128xi32, #tpu.memory_space<hbm>>) dst(%arg5 : memref<128x128xi32, #tpu.memory_space<vmem>>)
      tpu.yield
    }) : () -> ()
    %scan3A = arith.constant 0 : i32
    %scan3A_3 = arith.constant 0 : i32
    %scan3A_4 = arith.constant 128 : i32
    %scan3A_5 = arith.addi %scan3A_3, %scan3A_4 : i32
    %scan3A_6 = arith.constant 1 : i32
    scf.for %scan3A_8 = %scan3A_3 to %scan3A_5 step %scan3A_6  : i32 {
      %dma_start3A = arith.constant 0 : i32
      %dma_start3A_9 = tpu.memref_slice %arg5[%scan3A_8, %dma_start3A] : memref<128x128xi32, #tpu.memory_space<vmem>> -> memref<1x128xi32, #tpu.memory_space<vmem>>
      %dma_start3A_10 = tpu.memref_squeeze %dma_start3A_9 : memref<1x128xi32, #tpu.memory_space<vmem>> -> memref<128xi32, #tpu.memory_space<vmem>>
      %dma_start3A_11 = arith.constant 0 : i32
      %dma_start3A_12 = arith.constant 0 : i32
      %dma_start3A_13 = tpu.memref_slice %arg3[%dma_start3A_11, %dma_start3A_12] : memref<16384x128xf32, #tpu.memory_space<hbm>> -> memref<16384x128xf32, #tpu.memory_space<hbm>>
      tpu.enqueue_indirect_dma source(%dma_start3A_13 : memref<16384x128xf32, #tpu.memory_space<hbm>>) target(%arg6 : memref<128x128xf32, #tpu.memory_space<vmem>>) offsets(%dma_start3A_10 : memref<128xi32, #tpu.memory_space<vmem>>) semaphore(%arg7 : memref<!tpu.dma_semaphore, #tpu.memory_space<semaphore_mem>>)
      %dma_wait3A = arith.constant 0 : i32
      %dma_wait3A_14 = tpu.memref_slice %arg5[%scan3A_8, %dma_wait3A] : memref<128x128xi32, #tpu.memory_space<vmem>> -> memref<1x128xi32, #tpu.memory_space<vmem>>
      %dma_wait3A_15 = tpu.memref_squeeze %dma_wait3A_14 : memref<1x128xi32, #tpu.memory_space<vmem>> -> memref<128xi32, #tpu.memory_space<vmem>>
      %dma_wait3A_16 = arith.constant 0 : i32
      %dma_wait3A_17 = arith.constant 0 : i32
      %dma_wait3A_18 = tpu.memref_slice %arg3[%dma_wait3A_16, %dma_wait3A_17] : memref<16384x128xf32, #tpu.memory_space<hbm>> -> memref<16384x128xf32, #tpu.memory_space<hbm>>
      tpu.wait_indirect_dma semaphore(%arg7 : memref<!tpu.dma_semaphore, #tpu.memory_space<semaphore_mem>>) src(%dma_wait3A_18 : memref<16384x128xf32, #tpu.memory_space<hbm>>) dst(%arg6 : memref<128x128xf32, #tpu.memory_space<vmem>>)
      %mul3A_19 = arith.constant 128 : i32
      %mul3A_20 = arith.muli %scan3A_8, %mul3A_19 : i32
      %add3A_21 = arith.addi %mul3A_2, %mul3A_20 : i32
      "tpu.region"() ({
        %run_scoped3A = tpu.sem_alloc : memref<!tpu.dma_semaphore, #tpu.memory_space<semaphore_mem>>
        %dma_start3A_22 = arith.constant 0 : i32
        %dma_start3A_23 = tpu.memref_slice %arg4[%add3A_21, %dma_start3A_22] : memref<524288x128xf32, #tpu.memory_space<hbm>> -> memref<128x128xf32, #tpu.memory_space<hbm>>
        %dma_start3A_24 = arith.constant 0 : i32
        %dma_start3A_25 = tpu.memref_slice %arg4[%add3A_21, %dma_start3A_24] : memref<524288x128xf32, #tpu.memory_space<hbm>> -> memref<128x128xf32, #tpu.memory_space<hbm>>
        tpu.enqueue_dma source(%arg6 : memref<128x128xf32, #tpu.memory_space<vmem>>) target(%dma_start3A_25 : memref<128x128xf32, #tpu.memory_space<hbm>>) target_semaphore(%run_scoped3A : memref<!tpu.dma_semaphore, #tpu.memory_space<semaphore_mem>>)
        %dma_wait3A_26 = arith.constant 0 : i32
        %dma_wait3A_27 = tpu.memref_slice %arg4[%add3A_21, %dma_wait3A_26] : memref<524288x128xf32, #tpu.memory_space<hbm>> -> memref<128x128xf32, #tpu.memory_space<hbm>>
        %dma_wait3A_28 = arith.constant 0 : i32
        %dma_wait3A_29 = tpu.memref_slice %arg4[%add3A_21, %dma_wait3A_28] : memref<524288x128xf32, #tpu.memory_space<hbm>> -> memref<128x128xf32, #tpu.memory_space<hbm>>
        tpu.wait_dma2 semaphore(%run_scoped3A : memref<!tpu.dma_semaphore, #tpu.memory_space<semaphore_mem>>) src(%arg6 : memref<128x128xf32, #tpu.memory_space<vmem>>) dst(%dma_wait3A_29 : memref<128x128xf32, #tpu.memory_space<hbm>>)
        tpu.yield
      }) : () -> ()
    }
    %scan3A_7 = arith.constant 128 : i32
    return
  }
}

module attributes {stable_mosaic.version = 14 : i64} {
  func.func @_topk_body(%arg0: i32, %arg1: i32, %arg2: memref<1x256x3xf32, #tpu.memory_space<vmem>>, %arg3: memref<1x3x4096xf32, #tpu.memory_space<vmem>>, %arg4: memref<1x256x32xi32, #tpu.memory_space<vmem>>) attributes {dimension_semantics = [#tpu.dimension_semantics<arbitrary>, #tpu.dimension_semantics<arbitrary>], iteration_bounds = array<i64: 4, 16>, scalar_prefetch = 0 : i64, scratch_operands = 0 : i64, tpu.core_type = #tpu.core_type<tc>, window_params = [{transform_indices = @transform_0, window_bounds = array<i64: 1, 256, 3>}, {transform_indices = @transform_1, window_bounds = array<i64: 1, 3, 4096>}, {transform_indices = @transform_2, window_bounds = array<i64: 1, 256, 32>}]} {
    %get3A = arith.constant 0 : index
    %get3A_0 = arith.constant 0 : index
    %get3A_1 = arith.constant 0 : index
    %get3A_2 = vector.load %arg2[%get3A, %get3A_0, %get3A_1] : memref<1x256x3xf32, #tpu.memory_space<vmem>>, vector<1x256x3xf32>
    %get3A_3 = vector.shape_cast %get3A_2 : vector<1x256x3xf32> to vector<256x3xf32>
    %get3A_4 = arith.constant 0 : index
    %get3A_5 = arith.constant 0 : index
    %get3A_6 = arith.constant 0 : index
    %get3A_7 = vector.load %arg3[%get3A_4, %get3A_5, %get3A_6] : memref<1x3x4096xf32, #tpu.memory_space<vmem>>, vector<1x3x4096xf32>
    %get3A_8 = vector.shape_cast %get3A_7 : vector<1x3x4096xf32> to vector<3x4096xf32>
    %mul3A = arith.mulf %get3A_3, %get3A_3 : vector<256x3xf32>
    %reduce_sum3A = arith.constant dense<0.000000e+00> : vector<256xf32>
    %reduce_sum3A_9 = vector.multi_reduction <add>, %mul3A, %reduce_sum3A [1] : vector<256x3xf32> to vector<256xf32>
    %broadcast_in_dim3A = vector.shape_cast %reduce_sum3A_9 : vector<256xf32> to vector<256x1xf32>
    %mul3A_10 = arith.mulf %get3A_8, %get3A_8 : vector<3x4096xf32>
    %reduce_sum3A_11 = arith.constant dense<0.000000e+00> : vector<4096xf32>
    %reduce_sum3A_12 = vector.multi_reduction <add>, %mul3A_10, %reduce_sum3A_11 [0] : vector<3x4096xf32> to vector<4096xf32>
    %broadcast_in_dim3A_13 = vector.shape_cast %reduce_sum3A_12 : vector<4096xf32> to vector<1x4096xf32>
    %add3A = vector.broadcast %broadcast_in_dim3A : vector<256x1xf32> to vector<256x4096xf32>
    %add3A_14 = vector.broadcast %broadcast_in_dim3A_13 : vector<1x4096xf32> to vector<256x4096xf32>
    %add3A_15 = arith.addf %add3A, %add3A_14 : vector<256x4096xf32>
    %dot_general3A = arith.constant dense<0.000000e+00> : vector<256x4096xf32>
    %dot_general3A_16 = tpu.matmul %get3A_3, %get3A_8, %dot_general3A {dimension_numbers = #tpu.dot_dimension_numbers<[1], [0], [0], [1], [0, 0, 1, 1], [], []>, transpose_lhs_hint = false} : vector<256x3xf32>, vector<3x4096xf32>, vector<256x4096xf32> -> vector<256x4096xf32>
    %mul3A_17 = arith.constant 2.000000e+00 : f32
    %mul3A_18 = vector.broadcast %mul3A_17 : f32 to vector<256x4096xf32>
    %mul3A_19 = arith.mulf %mul3A_18, %dot_general3A_16 : vector<256x4096xf32>
    %sub3A = arith.subf %add3A_15, %mul3A_19 : vector<256x4096xf32>
    %iota3A = tpu.iota {dimensions = array<i32: 1>} : vector<256x4096xi32>
    %iota3A_20 = tpu.iota {dimensions = array<i32: 1>} : vector<256x32xi32>
    %broadcast_in_dim3A_21 = arith.constant 0 : i32
    %broadcast_in_dim3A_22 = vector.broadcast %broadcast_in_dim3A_21 : i32 to vector<256x32xi32>
    %scan3A = arith.constant 1073741824 : i32
    %scan3A_23 = arith.constant 0x7F800000 : f32
    %scan3A_24 = arith.constant 0 : i32
    %scan3A_25 = arith.constant 32 : i32
    %scan3A_26 = arith.addi %scan3A_24, %scan3A_25 : i32
    %scan3A_27 = arith.constant 1 : i32
    %scan3A_28:2 = scf.for %scan3A_39 = %scan3A_24 to %scan3A_26 step %scan3A_27 iter_args(%scan3A_40 = %sub3A, %scan3A_41 = %broadcast_in_dim3A_22) -> (vector<256x4096xf32>, vector<256x32xi32>)  : i32 {
      %reduce_min3A = arith.constant dense<0x7F800000> : vector<256xf32>
      %reduce_min3A_42 = vector.multi_reduction <minimumf>, %scan3A_40, %reduce_min3A [1] : vector<256x4096xf32> to vector<256xf32>
      %broadcast_in_dim3A_43 = vector.shape_cast %reduce_min3A_42 : vector<256xf32> to vector<256x1xf32>
      %eq3A = vector.broadcast %broadcast_in_dim3A_43 : vector<256x1xf32> to vector<256x4096xf32>
      %eq3A_44 = arith.cmpf oeq, %scan3A_40, %eq3A : vector<256x4096xf32>
      %broadcast_in_dim3A_45 = vector.broadcast %scan3A : i32 to vector<256x4096xi32>
      %select_n3A = arith.select %eq3A_44, %iota3A, %broadcast_in_dim3A_45 : vector<256x4096xi1>, vector<256x4096xi32>
      %reduce_min3A_46 = arith.constant dense<2147483647> : vector<256xi32>
      %reduce_min3A_47 = vector.multi_reduction <minsi>, %select_n3A, %reduce_min3A_46 [1] : vector<256x4096xi32> to vector<256xi32>
      %broadcast_in_dim3A_48 = vector.shape_cast %reduce_min3A_47 : vector<256xi32> to vector<256x1xi32>
      %eq3A_49 = vector.broadcast %broadcast_in_dim3A_48 : vector<256x1xi32> to vector<256x4096xi32>
      %eq3A_50 = arith.cmpi eq, %iota3A, %eq3A_49 : vector<256x4096xi32>
      %broadcast_in_dim3A_51 = vector.broadcast %scan3A_23 : f32 to vector<256x4096xf32>
      %select_n3A_52 = arith.select %eq3A_50, %broadcast_in_dim3A_51, %scan3A_40 : vector<256x4096xi1>, vector<256x4096xf32>
      %eq3A_53 = vector.broadcast %scan3A_39 : i32 to vector<256x32xi32>
      %eq3A_54 = arith.cmpi eq, %iota3A_20, %eq3A_53 : vector<256x32xi32>
      %broadcast_in_dim3A_55 = vector.shape_cast %broadcast_in_dim3A_48 : vector<256x1xi32> to vector<256x1xi32>
      %broadcast_in_dim3A_56 = vector.broadcast %broadcast_in_dim3A_55 : vector<256x1xi32> to vector<256x32xi32>
      %select_n3A_57 = arith.select %eq3A_54, %broadcast_in_dim3A_56, %scan3A_41 : vector<256x32xi1>, vector<256x32xi32>
      scf.yield %select_n3A_52, %select_n3A_57 : vector<256x4096xf32>, vector<256x32xi32>
    }
    %scan3A_29 = arith.constant 32 : i32
    %mul3A_30 = arith.constant 4096 : i32
    %mul3A_31 = arith.muli %arg0, %mul3A_30 : i32
    %add3A_32 = vector.broadcast %mul3A_31 : i32 to vector<256x32xi32>
    %add3A_33 = arith.addi %scan3A_28#1, %add3A_32 : vector<256x32xi32>
    %swap3A = arith.constant 0 : index
    %swap3A_34 = arith.constant 0 : index
    %swap3A_35 = arith.constant 0 : index
    %swap3A_36 = vector.load %arg4[%swap3A, %swap3A_34, %swap3A_35] : memref<1x256x32xi32, #tpu.memory_space<vmem>>, vector<1x256x32xi32>
    %swap3A_37 = vector.shape_cast %swap3A_36 : vector<1x256x32xi32> to vector<256x32xi32>
    %swap3A_38 = vector.shape_cast %add3A_33 : vector<256x32xi32> to vector<1x256x32xi32>
    tpu.vector_store %arg4[%swap3A, %swap3A_34, %swap3A_35], %swap3A_38 {strides = array<i32>} : memref<1x256x32xi32, #tpu.memory_space<vmem>>, vector<1x256x32xi32>,
    return
  }
  func.func @transform_0(%arg0: i32, %arg1: i32) -> (i32, i32, i32) {
    %c0_i32 = arith.constant 0 : i32
    %c0_i32_0 = arith.constant 0 : i32
    return %arg0, %arg1, %c0_i32 : i32, i32, i32
  }
  func.func @transform_1(%arg0: i32, %arg1: i32) -> (i32, i32, i32) {
    %c0_i32 = arith.constant 0 : i32
    %c0_i32_0 = arith.constant 0 : i32
    %c0_i32_1 = arith.constant 0 : i32
    return %arg0, %c0_i32, %c0_i32_0 : i32, i32, i32
  }
  func.func @transform_2(%arg0: i32, %arg1: i32) -> (i32, i32, i32) {
    %c0_i32 = arith.constant 0 : i32
    %c0_i32_0 = arith.constant 0 : i32
    return %arg0, %arg1, %c0_i32 : i32, i32, i32
  }
}

module attributes {stable_mosaic.version = 14 : i64} {
  func.func @_stats1_body(%arg0: i32, %arg1: memref<2048x128xf32, #tpu.memory_space<vmem>>, %arg2: memref<64x3xf32, #tpu.memory_space<vmem>>, %arg3: memref<128x64xf32, #tpu.memory_space<vmem>>, %arg4: memref<3x64xf32, #tpu.memory_space<vmem>>, %arg5: memref<1x64xf32, #tpu.memory_space<vmem>>, %arg6: memref<1x64xf32, #tpu.memory_space<vmem>>, %arg7: memref<1x64xf32, #tpu.memory_space<vmem>>) attributes {dimension_semantics = [#tpu.dimension_semantics<arbitrary>], iteration_bounds = array<i64: 256>, scalar_prefetch = 0 : i64, scratch_operands = 0 : i64, tpu.core_type = #tpu.core_type<tc>, window_params = [{transform_indices = @transform_0, window_bounds = array<i64: 2048, 128>}, {transform_indices = @transform_1, window_bounds = array<i64: 64, 3>}, {pipeline_mode = #tpu.pipeline_mode<synchronous>, transform_indices = @transform_2, window_bounds = array<i64: 128, 64>}, {pipeline_mode = #tpu.pipeline_mode<synchronous>, transform_indices = @transform_3, window_bounds = array<i64: 3, 64>}, {pipeline_mode = #tpu.pipeline_mode<synchronous>, transform_indices = @transform_4, window_bounds = array<i64: 1, 64>}, {pipeline_mode = #tpu.pipeline_mode<synchronous>, transform_indices = @transform_5, window_bounds = array<i64: 1, 64>}, {pipeline_mode = #tpu.pipeline_mode<synchronous>, transform_indices = @transform_6, window_bounds = array<i64: 1, 64>}]} {
    %get3A = arith.constant 0 : index
    %get3A_0 = arith.constant 0 : index
    %get3A_1 = vector.load %arg1[%get3A, %get3A_0] : memref<2048x128xf32, #tpu.memory_space<vmem>>, vector<2048x128xf32>
    %get3A_2 = arith.constant 0 : index
    %get3A_3 = arith.constant 0 : index
    %get3A_4 = vector.load %arg3[%get3A_2, %get3A_3] : memref<128x64xf32, #tpu.memory_space<vmem>>, vector<128x64xf32>
    %dot_general3A = arith.constant dense<0.000000e+00> : vector<2048x64xf32>
    %dot_general3A_5 = tpu.matmul %get3A_1, %get3A_4, %dot_general3A {dimension_numbers = #tpu.dot_dimension_numbers<[1], [0], [0], [1], [0, 0, 1, 1], [], []>, transpose_lhs_hint = false} : vector<2048x128xf32>, vector<128x64xf32>, vector<2048x64xf32> -> vector<2048x64xf32>
    %get3A_6 = arith.constant 0 : index
    %get3A_7 = arith.constant 0 : index
    %get3A_8 = vector.load %arg5[%get3A_6, %get3A_7] : memref<1x64xf32, #tpu.memory_space<vmem>>, vector<1x64xf32>
    %add3A = vector.broadcast %get3A_8 : vector<1x64xf32> to vector<2048x64xf32>
    %add3A_9 = arith.addf %dot_general3A_5, %add3A : vector<2048x64xf32>
    %get3A_10 = arith.constant 0 : index
    %get3A_11 = arith.constant 0 : index
    %get3A_12 = vector.load %arg2[%get3A_10, %get3A_11] : memref<64x3xf32, #tpu.memory_space<vmem>>, vector<64x3xf32>
    %get3A_13 = arith.constant 0 : index
    %get3A_14 = arith.constant 0 : index
    %get3A_15 = vector.load %arg4[%get3A_13, %get3A_14] : memref<3x64xf32, #tpu.memory_space<vmem>>, vector<3x64xf32>
    %dot_general3A_16 = arith.constant dense<0.000000e+00> : vector<64x64xf32>
    %dot_general3A_17 = tpu.matmul %get3A_12, %get3A_15, %dot_general3A_16 {dimension_numbers = #tpu.dot_dimension_numbers<[1], [0], [0], [1], [0, 0, 1, 1], [], []>, transpose_lhs_hint = false} : vector<64x3xf32>, vector<3x64xf32>, vector<64x64xf32> -> vector<64x64xf32>
    %reshape3A = vector.shape_cast %add3A_9 : vector<2048x64xf32> to vector<64x32x64xf32>
    %broadcast_in_dim3A = vector.shape_cast %dot_general3A_17 : vector<64x64xf32> to vector<64x1x64xf32>
    %sub3A = vector.broadcast %broadcast_in_dim3A : vector<64x1x64xf32> to vector<64x32x64xf32>
    %sub3A_18 = arith.subf %reshape3A, %sub3A : vector<64x32x64xf32>
    %eq3A = arith.constant 0 : i32
    %eq3A_19 = arith.cmpi eq, %arg0, %eq3A : i32
    %convert_element_type3A = arith.extui %eq3A_19 : i1 to i32
    %cond3A = arith.constant 0 : i32
    %cond3A_20 = arith.cmpi ne, %convert_element_type3A, %cond3A : i32
    scf.if %cond3A_20 {
      %broadcast_in_dim3A_39 = arith.constant 0.000000e+00 : f32
      %broadcast_in_dim3A_40 = vector.broadcast %broadcast_in_dim3A_39 : f32 to vector<1x64xf32>
      %swap3A_41 = arith.constant 0 : index
      %swap3A_42 = arith.constant 0 : index
      %swap3A_43 = vector.load %arg6[%swap3A_41, %swap3A_42] : memref<1x64xf32, #tpu.memory_space<vmem>>, vector<1x64xf32>
      tpu.vector_store %arg6[%swap3A_41, %swap3A_42], %broadcast_in_dim3A_40 {strides = array<i32>} : memref<1x64xf32, #tpu.memory_space<vmem>>, vector<1x64xf32>,
      %broadcast_in_dim3A_44 = arith.constant 0.000000e+00 : f32
      %broadcast_in_dim3A_45 = vector.broadcast %broadcast_in_dim3A_44 : f32 to vector<1x64xf32>
      %swap3A_46 = arith.constant 0 : index
      %swap3A_47 = arith.constant 0 : index
      %swap3A_48 = vector.load %arg7[%swap3A_46, %swap3A_47] : memref<1x64xf32, #tpu.memory_space<vmem>>, vector<1x64xf32>
      tpu.vector_store %arg7[%swap3A_46, %swap3A_47], %broadcast_in_dim3A_45 {strides = array<i32>} : memref<1x64xf32, #tpu.memory_space<vmem>>, vector<1x64xf32>,
    } else {
    }
    %get3A_21 = arith.constant 0 : index
    %get3A_22 = arith.constant 0 : index
    %get3A_23 = vector.load %arg6[%get3A_21, %get3A_22] : memref<1x64xf32, #tpu.memory_space<vmem>>, vector<1x64xf32>
    %reduce_sum3A = arith.constant dense<0.000000e+00> : vector<64xf32>
    %reduce_sum3A_24 = vector.multi_reduction <add>, %sub3A_18, %reduce_sum3A [0, 1] : vector<64x32x64xf32> to vector<64xf32>
    %broadcast_in_dim3A_25 = vector.shape_cast %reduce_sum3A_24 : vector<64xf32> to vector<1x64xf32>
    %add3A_26 = arith.addf %get3A_23, %broadcast_in_dim3A_25 : vector<1x64xf32>
    %swap3A = arith.constant 0 : index
    %swap3A_27 = arith.constant 0 : index
    %swap3A_28 = vector.load %arg6[%swap3A, %swap3A_27] : memref<1x64xf32, #tpu.memory_space<vmem>>, vector<1x64xf32>
    tpu.vector_store %arg6[%swap3A, %swap3A_27], %add3A_26 {strides = array<i32>} : memref<1x64xf32, #tpu.memory_space<vmem>>, vector<1x64xf32>,
    %get3A_29 = arith.constant 0 : index
    %get3A_30 = arith.constant 0 : index
    %get3A_31 = vector.load %arg7[%get3A_29, %get3A_30] : memref<1x64xf32, #tpu.memory_space<vmem>>, vector<1x64xf32>
    %mul3A = arith.mulf %sub3A_18, %sub3A_18 : vector<64x32x64xf32>
    %reduce_sum3A_32 = arith.constant dense<0.000000e+00> : vector<64xf32>
    %reduce_sum3A_33 = vector.multi_reduction <add>, %mul3A, %reduce_sum3A_32 [0, 1] : vector<64x32x64xf32> to vector<64xf32>
    %broadcast_in_dim3A_34 = vector.shape_cast %reduce_sum3A_33 : vector<64xf32> to vector<1x64xf32>
    %add3A_35 = arith.addf %get3A_31, %broadcast_in_dim3A_34 : vector<1x64xf32>
    %swap3A_36 = arith.constant 0 : index
    %swap3A_37 = arith.constant 0 : index
    %swap3A_38 = vector.load %arg7[%swap3A_36, %swap3A_37] : memref<1x64xf32, #tpu.memory_space<vmem>>, vector<1x64xf32>
    tpu.vector_store %arg7[%swap3A_36, %swap3A_37], %add3A_35 {strides = array<i32>} : memref<1x64xf32, #tpu.memory_space<vmem>>, vector<1x64xf32>,
    return
  }
  func.func @transform_0(%arg0: i32) -> (i32, i32) {
    %c0_i32 = arith.constant 0 : i32
    %c0_i32_0 = arith.constant 0 : i32
    return %arg0, %c0_i32 : i32, i32
  }
  func.func @transform_1(%arg0: i32) -> (i32, i32) {
    %c0_i32 = arith.constant 0 : i32
    %c0_i32_0 = arith.constant 0 : i32
    return %arg0, %c0_i32 : i32, i32
  }
  func.func @transform_2(%arg0: i32) -> (i32, i32) {
    %c0_i32 = arith.constant 0 : i32
    %c0_i32_0 = arith.constant 0 : i32
    %c0_i32_1 = arith.constant 0 : i32
    return %c0_i32, %c0_i32_0 : i32, i32
  }
  func.func @transform_3(%arg0: i32) -> (i32, i32) {
    %c0_i32 = arith.constant 0 : i32
    %c0_i32_0 = arith.constant 0 : i32
    %c0_i32_1 = arith.constant 0 : i32
    return %c0_i32, %c0_i32_0 : i32, i32
  }
  func.func @transform_4(%arg0: i32) -> (i32, i32) {
    %c0_i32 = arith.constant 0 : i32
    %c0_i32_0 = arith.constant 0 : i32
    %c0_i32_1 = arith.constant 0 : i32
    return %c0_i32, %c0_i32_0 : i32, i32
  }
  func.func @transform_5(%arg0: i32) -> (i32, i32) {
    %c0_i32 = arith.constant 0 : i32
    %c0_i32_0 = arith.constant 0 : i32
    %c0_i32_1 = arith.constant 0 : i32
    return %c0_i32, %c0_i32_0 : i32, i32
  }
  func.func @transform_6(%arg0: i32) -> (i32, i32) {
    %c0_i32 = arith.constant 0 : i32
    %c0_i32_0 = arith.constant 0 : i32
    %c0_i32_1 = arith.constant 0 : i32
    return %c0_i32, %c0_i32_0 : i32, i32
  }
}

module attributes {stable_mosaic.version = 14 : i64} {
  func.func @_final_body(%arg0: i32, %arg1: memref<16384x64xf32, #tpu.memory_space<vmem>>, %arg2: memref<16384x64xf32, #tpu.memory_space<vmem>>, %arg3: memref<1x64xf32, #tpu.memory_space<vmem>>, %arg4: memref<1x64xf32, #tpu.memory_space<vmem>>, %arg5: memref<16384x64xf32, #tpu.memory_space<vmem>>) attributes {dimension_semantics = [#tpu.dimension_semantics<arbitrary>], iteration_bounds = array<i64: 1>, scalar_prefetch = 0 : i64, scratch_operands = 0 : i64, tpu.core_type = #tpu.core_type<tc>, window_params = [{pipeline_mode = #tpu.pipeline_mode<synchronous>, transform_indices = @transform_0, window_bounds = array<i64: 16384, 64>}, {pipeline_mode = #tpu.pipeline_mode<synchronous>, transform_indices = @transform_1, window_bounds = array<i64: 16384, 64>}, {pipeline_mode = #tpu.pipeline_mode<synchronous>, transform_indices = @transform_2, window_bounds = array<i64: 1, 64>}, {pipeline_mode = #tpu.pipeline_mode<synchronous>, transform_indices = @transform_3, window_bounds = array<i64: 1, 64>}, {pipeline_mode = #tpu.pipeline_mode<synchronous>, transform_indices = @transform_4, window_bounds = array<i64: 16384, 64>}]} {
    %get3A = arith.constant 0 : index
    %get3A_0 = arith.constant 0 : index
    %get3A_1 = vector.load %arg1[%get3A, %get3A_0] : memref<16384x64xf32, #tpu.memory_space<vmem>>, vector<16384x64xf32>
    %get3A_2 = arith.constant 0 : index
    %get3A_3 = arith.constant 0 : index
    %get3A_4 = vector.load %arg3[%get3A_2, %get3A_3] : memref<1x64xf32, #tpu.memory_space<vmem>>, vector<1x64xf32>
    %mul3A = vector.broadcast %get3A_4 : vector<1x64xf32> to vector<16384x64xf32>
    %mul3A_5 = arith.mulf %get3A_1, %mul3A : vector<16384x64xf32>
    %get3A_6 = arith.constant 0 : index
    %get3A_7 = arith.constant 0 : index
    %get3A_8 = vector.load %arg4[%get3A_6, %get3A_7] : memref<1x64xf32, #tpu.memory_space<vmem>>, vector<1x64xf32>
    %add3A = vector.broadcast %get3A_8 : vector<1x64xf32> to vector<16384x64xf32>
    %add3A_9 = arith.addf %mul3A_5, %add3A : vector<16384x64xf32>
    %get3A_10 = arith.constant 0 : index
    %get3A_11 = arith.constant 0 : index
    %get3A_12 = vector.load %arg2[%get3A_10, %get3A_11] : memref<16384x64xf32, #tpu.memory_space<vmem>>, vector<16384x64xf32>
    %get3A_13 = arith.constant 0 : index
    %get3A_14 = arith.constant 0 : index
    %get3A_15 = vector.load %arg3[%get3A_13, %get3A_14] : memref<1x64xf32, #tpu.memory_space<vmem>>, vector<1x64xf32>
    %mul3A_16 = vector.broadcast %get3A_15 : vector<1x64xf32> to vector<16384x64xf32>
    %mul3A_17 = arith.mulf %get3A_12, %mul3A_16 : vector<16384x64xf32>
    %get3A_18 = arith.constant 0 : index
    %get3A_19 = arith.constant 0 : index
    %get3A_20 = vector.load %arg4[%get3A_18, %get3A_19] : memref<1x64xf32, #tpu.memory_space<vmem>>, vector<1x64xf32>
    %add3A_21 = vector.broadcast %get3A_20 : vector<1x64xf32> to vector<16384x64xf32>
    %add3A_22 = arith.addf %mul3A_17, %add3A_21 : vector<16384x64xf32>
    %max3A = arith.maximumf %add3A_9, %add3A_22 : vector<16384x64xf32>
    %max3A_23 = arith.constant 0.000000e+00 : f32
    %max3A_24 = vector.broadcast %max3A_23 : f32 to vector<16384x64xf32>
    %max3A_25 = arith.maximumf %max3A, %max3A_24 : vector<16384x64xf32>
    %swap3A = arith.constant 0 : index
    %swap3A_26 = arith.constant 0 : index
    %swap3A_27 = vector.load %arg5[%swap3A, %swap3A_26] : memref<16384x64xf32, #tpu.memory_space<vmem>>, vector<16384x64xf32>
    tpu.vector_store %arg5[%swap3A, %swap3A_26], %max3A_25 {strides = array<i32>} : memref<16384x64xf32, #tpu.memory_space<vmem>>, vector<16384x64xf32>,
    return
  }
  func.func @transform_0(%arg0: i32) -> (i32, i32) {
    %c0_i32 = arith.constant 0 : i32
    %c0_i32_0 = arith.constant 0 : i32
    %c0_i32_1 = arith.constant 0 : i32
    return %c0_i32, %c0_i32_0 : i32, i32
  }
  func.func @transform_1(%arg0: i32) -> (i32, i32) {
    %c0_i32 = arith.constant 0 : i32
    %c0_i32_0 = arith.constant 0 : i32
    %c0_i32_1 = arith.constant 0 : i32
    return %c0_i32, %c0_i32_0 : i32, i32
  }
  func.func @transform_2(%arg0: i32) -> (i32, i32) {
    %c0_i32 = arith.constant 0 : i32
    %c0_i32_0 = arith.constant 0 : i32
    %c0_i32_1 = arith.constant 0 : i32
    return %c0_i32, %c0_i32_0 : i32, i32
  }
  func.func @transform_3(%arg0: i32) -> (i32, i32) {
    %c0_i32 = arith.constant 0 : i32
    %c0_i32_0 = arith.constant 0 : i32
    %c0_i32_1 = arith.constant 0 : i32
    return %c0_i32, %c0_i32_0 : i32, i32
  }
  func.func @transform_4(%arg0: i32) -> (i32, i32) {
    %c0_i32 = arith.constant 0 : i32
    %c0_i32_0 = arith.constant 0 : i32
    %c0_i32_1 = arith.constant 0 : i32
    return %c0_i32, %c0_i32_0 : i32, i32
  }
}

module attributes {stable_mosaic.version = 14 : i64} {
  func.func @_pass2_body(%arg0: i32, %arg1: memref<2048x128xf32, #tpu.memory_space<vmem>>, %arg2: memref<64x3xf32, #tpu.memory_space<vmem>>, %arg3: memref<128x64xf32, #tpu.memory_space<vmem>>, %arg4: memref<3x64xf32, #tpu.memory_space<vmem>>, %arg5: memref<1x64xf32, #tpu.memory_space<vmem>>, %arg6: memref<1x64xf32, #tpu.memory_space<vmem>>, %arg7: memref<1x64xf32, #tpu.memory_space<vmem>>, %arg8: memref<64x64xf32, #tpu.memory_space<vmem>>, %arg9: memref<1x64xf32, #tpu.memory_space<vmem>>, %arg10: memref<1x64xf32, #tpu.memory_space<vmem>>, %arg11: memref<1x64xf32, #tpu.memory_space<vmem>>, %arg12: memref<64x64xf32, #tpu.memory_space<vmem>>, %arg13: memref<64x64xf32, #tpu.memory_space<vmem>>) attributes {dimension_semantics = [#tpu.dimension_semantics<arbitrary>], iteration_bounds = array<i64: 256>, scalar_prefetch = 0 : i64, scratch_operands = 0 : i64, tpu.core_type = #tpu.core_type<tc>, window_params = [{transform_indices = @transform_0, window_bounds = array<i64: 2048, 128>}, {transform_indices = @transform_1, window_bounds = array<i64: 64, 3>}, {pipeline_mode = #tpu.pipeline_mode<synchronous>, transform_indices = @transform_2, window_bounds = array<i64: 128, 64>}, {pipeline_mode = #tpu.pipeline_mode<synchronous>, transform_indices = @transform_3, window_bounds = array<i64: 3, 64>}, {pipeline_mode = #tpu.pipeline_mode<synchronous>, transform_indices = @transform_4, window_bounds = array<i64: 1, 64>}, {pipeline_mode = #tpu.pipeline_mode<synchronous>, transform_indices = @transform_5, window_bounds = array<i64: 1, 64>}, {pipeline_mode = #tpu.pipeline_mode<synchronous>, transform_indices = @transform_6, window_bounds = array<i64: 1, 64>}, {pipeline_mode = #tpu.pipeline_mode<synchronous>, transform_indices = @transform_7, window_bounds = array<i64: 64, 64>}, {pipeline_mode = #tpu.pipeline_mode<synchronous>, transform_indices = @transform_8, window_bounds = array<i64: 1, 64>}, {pipeline_mode = #tpu.pipeline_mode<synchronous>, transform_indices = @transform_9, window_bounds = array<i64: 1, 64>}, {pipeline_mode = #tpu.pipeline_mode<synchronous>, transform_indices = @transform_10, window_bounds = array<i64: 1, 64>}, {transform_indices = @transform_11, window_bounds = array<i64: 64, 64>}, {transform_indices = @transform_12, window_bounds = array<i64: 64, 64>}]} {
    %get3A = arith.constant 0 : index
    %get3A_0 = arith.constant 0 : index
    %get3A_1 = vector.load %arg1[%get3A, %get3A_0] : memref<2048x128xf32, #tpu.memory_space<vmem>>, vector<2048x128xf32>
    %get3A_2 = arith.constant 0 : index
    %get3A_3 = arith.constant 0 : index
    %get3A_4 = vector.load %arg3[%get3A_2, %get3A_3] : memref<128x64xf32, #tpu.memory_space<vmem>>, vector<128x64xf32>
    %dot_general3A = arith.constant dense<0.000000e+00> : vector<2048x64xf32>
    %dot_general3A_5 = tpu.matmul %get3A_1, %get3A_4, %dot_general3A {dimension_numbers = #tpu.dot_dimension_numbers<[1], [0], [0], [1], [0, 0, 1, 1], [], []>, transpose_lhs_hint = false} : vector<2048x128xf32>, vector<128x64xf32>, vector<2048x64xf32> -> vector<2048x64xf32>
    %get3A_6 = arith.constant 0 : index
    %get3A_7 = arith.constant 0 : index
    %get3A_8 = vector.load %arg5[%get3A_6, %get3A_7] : memref<1x64xf32, #tpu.memory_space<vmem>>, vector<1x64xf32>
    %add3A = vector.broadcast %get3A_8 : vector<1x64xf32> to vector<2048x64xf32>
    %add3A_9 = arith.addf %dot_general3A_5, %add3A : vector<2048x64xf32>
    %get3A_10 = arith.constant 0 : index
    %get3A_11 = arith.constant 0 : index
    %get3A_12 = vector.load %arg2[%get3A_10, %get3A_11] : memref<64x3xf32, #tpu.memory_space<vmem>>, vector<64x3xf32>
    %get3A_13 = arith.constant 0 : index
    %get3A_14 = arith.constant 0 : index
    %get3A_15 = vector.load %arg4[%get3A_13, %get3A_14] : memref<3x64xf32, #tpu.memory_space<vmem>>, vector<3x64xf32>
    %dot_general3A_16 = arith.constant dense<0.000000e+00> : vector<64x64xf32>
    %dot_general3A_17 = tpu.matmul %get3A_12, %get3A_15, %dot_general3A_16 {dimension_numbers = #tpu.dot_dimension_numbers<[1], [0], [0], [1], [0, 0, 1, 1], [], []>, transpose_lhs_hint = false} : vector<64x3xf32>, vector<3x64xf32>, vector<64x64xf32> -> vector<64x64xf32>
    %reshape3A = vector.shape_cast %add3A_9 : vector<2048x64xf32> to vector<64x32x64xf32>
    %broadcast_in_dim3A = vector.shape_cast %dot_general3A_17 : vector<64x64xf32> to vector<64x1x64xf32>
    %sub3A = vector.broadcast %broadcast_in_dim3A : vector<64x1x64xf32> to vector<64x32x64xf32>
    %sub3A_18 = arith.subf %reshape3A, %sub3A : vector<64x32x64xf32>
    %get3A_19 = arith.constant 0 : index
    %get3A_20 = arith.constant 0 : index
    %get3A_21 = vector.load %arg6[%get3A_19, %get3A_20] : memref<1x64xf32, #tpu.memory_space<vmem>>, vector<1x64xf32>
    %reshape3A_22 = vector.shape_cast %get3A_21 : vector<1x64xf32> to vector<1x1x64xf32>
    %mul3A = vector.broadcast %reshape3A_22 : vector<1x1x64xf32> to vector<64x32x64xf32>
    %mul3A_23 = arith.mulf %sub3A_18, %mul3A : vector<64x32x64xf32>
    %get3A_24 = arith.constant 0 : index
    %get3A_25 = arith.constant 0 : index
    %get3A_26 = vector.load %arg7[%get3A_24, %get3A_25] : memref<1x64xf32, #tpu.memory_space<vmem>>, vector<1x64xf32>
    %reshape3A_27 = vector.shape_cast %get3A_26 : vector<1x64xf32> to vector<1x1x64xf32>
    %add3A_28 = vector.broadcast %reshape3A_27 : vector<1x1x64xf32> to vector<64x32x64xf32>
    %add3A_29 = arith.addf %mul3A_23, %add3A_28 : vector<64x32x64xf32>
    %max3A = arith.constant 0.000000e+00 : f32
    %max3A_30 = vector.broadcast %max3A : f32 to vector<64x32x64xf32>
    %max3A_31 = arith.maximumf %add3A_29, %max3A_30 : vector<64x32x64xf32>
    %reshape3A_32 = vector.shape_cast %max3A_31 : vector<64x32x64xf32> to vector<2048x64xf32>
    %get3A_33 = arith.constant 0 : index
    %get3A_34 = arith.constant 0 : index
    %get3A_35 = vector.load %arg8[%get3A_33, %get3A_34] : memref<64x64xf32, #tpu.memory_space<vmem>>, vector<64x64xf32>
    %dot_general3A_36 = arith.constant dense<0.000000e+00> : vector<2048x64xf32>
    %dot_general3A_37 = tpu.matmul %reshape3A_32, %get3A_35, %dot_general3A_36 {dimension_numbers = #tpu.dot_dimension_numbers<[1], [0], [0], [1], [0, 0, 1, 1], [], []>, transpose_lhs_hint = false} : vector<2048x64xf32>, vector<64x64xf32>, vector<2048x64xf32> -> vector<2048x64xf32>
    %get3A_38 = arith.constant 0 : index
    %get3A_39 = arith.constant 0 : index
    %get3A_40 = vector.load %arg9[%get3A_38, %get3A_39] : memref<1x64xf32, #tpu.memory_space<vmem>>, vector<1x64xf32>
    %add3A_41 = vector.broadcast %get3A_40 : vector<1x64xf32> to vector<2048x64xf32>
    %add3A_42 = arith.addf %dot_general3A_37, %add3A_41 : vector<2048x64xf32>
    %eq3A = arith.constant 0 : i32
    %eq3A_43 = arith.cmpi eq, %arg0, %eq3A : i32
    %convert_element_type3A = arith.extui %eq3A_43 : i1 to i32
    %cond3A = arith.constant 0 : i32
    %cond3A_44 = arith.cmpi ne, %convert_element_type3A, %cond3A : i32
    scf.if %cond3A_44 {
      %broadcast_in_dim3A_73 = arith.constant 0.000000e+00 : f32
      %broadcast_in_dim3A_74 = vector.broadcast %broadcast_in_dim3A_73 : f32 to vector<1x64xf32>
      %swap3A_75 = arith.constant 0 : index
      %swap3A_76 = arith.constant 0 : index
      %swap3A_77 = vector.load %arg10[%swap3A_75, %swap3A_76] : memref<1x64xf32, #tpu.memory_space<vmem>>, vector<1x64xf32>
      tpu.vector_store %arg10[%swap3A_75, %swap3A_76], %broadcast_in_dim3A_74 {strides = array<i32>} : memref<1x64xf32, #tpu.memory_space<vmem>>, vector<1x64xf32>,
      %broadcast_in_dim3A_78 = arith.constant 0.000000e+00 : f32
      %broadcast_in_dim3A_79 = vector.broadcast %broadcast_in_dim3A_78 : f32 to vector<1x64xf32>
      %swap3A_80 = arith.constant 0 : index
      %swap3A_81 = arith.constant 0 : index
      %swap3A_82 = vector.load %arg11[%swap3A_80, %swap3A_81] : memref<1x64xf32, #tpu.memory_space<vmem>>, vector<1x64xf32>
      tpu.vector_store %arg11[%swap3A_80, %swap3A_81], %broadcast_in_dim3A_79 {strides = array<i32>} : memref<1x64xf32, #tpu.memory_space<vmem>>, vector<1x64xf32>,
    } else {
    }
    %get3A_45 = arith.constant 0 : index
    %get3A_46 = arith.constant 0 : index
    %get3A_47 = vector.load %arg10[%get3A_45, %get3A_46] : memref<1x64xf32, #tpu.memory_space<vmem>>, vector<1x64xf32>
    %reduce_sum3A = arith.constant dense<0.000000e+00> : vector<64xf32>
    %reduce_sum3A_48 = vector.multi_reduction <add>, %add3A_42, %reduce_sum3A [0] : vector<2048x64xf32> to vector<64xf32>
    %broadcast_in_dim3A_49 = vector.shape_cast %reduce_sum3A_48 : vector<64xf32> to vector<1x64xf32>
    %add3A_50 = arith.addf %get3A_47, %broadcast_in_dim3A_49 : vector<1x64xf32>
    %swap3A = arith.constant 0 : index
    %swap3A_51 = arith.constant 0 : index
    %swap3A_52 = vector.load %arg10[%swap3A, %swap3A_51] : memref<1x64xf32, #tpu.memory_space<vmem>>, vector<1x64xf32>
    tpu.vector_store %arg10[%swap3A, %swap3A_51], %add3A_50 {strides = array<i32>} : memref<1x64xf32, #tpu.memory_space<vmem>>, vector<1x64xf32>,
    %get3A_53 = arith.constant 0 : index
    %get3A_54 = arith.constant 0 : index
    %get3A_55 = vector.load %arg11[%get3A_53, %get3A_54] : memref<1x64xf32, #tpu.memory_space<vmem>>, vector<1x64xf32>
    %mul3A_56 = arith.mulf %add3A_42, %add3A_42 : vector<2048x64xf32>
    %reduce_sum3A_57 = arith.constant dense<0.000000e+00> : vector<64xf32>
    %reduce_sum3A_58 = vector.multi_reduction <add>, %mul3A_56, %reduce_sum3A_57 [0] : vector<2048x64xf32> to vector<64xf32>
    %broadcast_in_dim3A_59 = vector.shape_cast %reduce_sum3A_58 : vector<64xf32> to vector<1x64xf32>
    %add3A_60 = arith.addf %get3A_55, %broadcast_in_dim3A_59 : vector<1x64xf32>
    %swap3A_61 = arith.constant 0 : index
    %swap3A_62 = arith.constant 0 : index
    %swap3A_63 = vector.load %arg11[%swap3A_61, %swap3A_62] : memref<1x64xf32, #tpu.memory_space<vmem>>, vector<1x64xf32>
    tpu.vector_store %arg11[%swap3A_61, %swap3A_62], %add3A_60 {strides = array<i32>} : memref<1x64xf32, #tpu.memory_space<vmem>>, vector<1x64xf32>,
    %reshape3A_64 = vector.shape_cast %add3A_42 : vector<2048x64xf32> to vector<64x32x64xf32>
    %reduce_max3A = arith.constant dense<0xFF800000> : vector<64x64xf32>
    %reduce_max3A_65 = vector.multi_reduction <maximumf>, %reshape3A_64, %reduce_max3A [1] : vector<64x32x64xf32> to vector<64x64xf32>
    %swap3A_66 = arith.constant 0 : index
    %swap3A_67 = arith.constant 0 : index
    %swap3A_68 = vector.load %arg12[%swap3A_66, %swap3A_67] : memref<64x64xf32, #tpu.memory_space<vmem>>, vector<64x64xf32>
    tpu.vector_store %arg12[%swap3A_66, %swap3A_67], %reduce_max3A_65 {strides = array<i32>} : memref<64x64xf32, #tpu.memory_space<vmem>>, vector<64x64xf32>,
    %reduce_min3A = arith.constant dense<0x7F800000> : vector<64x64xf32>
    %reduce_min3A_69 = vector.multi_reduction <minimumf>, %reshape3A_64, %reduce_min3A [1] : vector<64x32x64xf32> to vector<64x64xf32>
    %swap3A_70 = arith.constant 0 : index
    %swap3A_71 = arith.constant 0 : index
    %swap3A_72 = vector.load %arg13[%swap3A_70, %swap3A_71] : memref<64x64xf32, #tpu.memory_space<vmem>>, vector<64x64xf32>
    tpu.vector_store %arg13[%swap3A_70, %swap3A_71], %reduce_min3A_69 {strides = array<i32>} : memref<64x64xf32, #tpu.memory_space<vmem>>, vector<64x64xf32>,
    return
  }
  func.func @transform_0(%arg0: i32) -> (i32, i32) {
    %c0_i32 = arith.constant 0 : i32
    %c0_i32_0 = arith.constant 0 : i32
    return %arg0, %c0_i32 : i32, i32
  }
  func.func @transform_1(%arg0: i32) -> (i32, i32) {
    %c0_i32 = arith.constant 0 : i32
    %c0_i32_0 = arith.constant 0 : i32
    return %arg0, %c0_i32 : i32, i32
  }
  func.func @transform_2(%arg0: i32) -> (i32, i32) {
    %c0_i32 = arith.constant 0 : i32
    %c0_i32_0 = arith.constant 0 : i32
    %c0_i32_1 = arith.constant 0 : i32
    return %c0_i32, %c0_i32_0 : i32, i32
  }
  func.func @transform_3(%arg0: i32) -> (i32, i32) {
    %c0_i32 = arith.constant 0 : i32
    %c0_i32_0 = arith.constant 0 : i32
    %c0_i32_1 = arith.constant 0 : i32
    return %c0_i32, %c0_i32_0 : i32, i32
  }
  func.func @transform_4(%arg0: i32) -> (i32, i32) {
    %c0_i32 = arith.constant 0 : i32
    %c0_i32_0 = arith.constant 0 : i32
    %c0_i32_1 = arith.constant 0 : i32
    return %c0_i32, %c0_i32_0 : i32, i32
  }
  func.func @transform_5(%arg0: i32) -> (i32, i32) {
    %c0_i32 = arith.constant 0 : i32
    %c0_i32_0 = arith.constant 0 : i32
    %c0_i32_1 = arith.constant 0 : i32
    return %c0_i32, %c0_i32_0 : i32, i32
  }
  func.func @transform_6(%arg0: i32) -> (i32, i32) {
    %c0_i32 = arith.constant 0 : i32
    %c0_i32_0 = arith.constant 0 : i32
    %c0_i32_1 = arith.constant 0 : i32
    return %c0_i32, %c0_i32_0 : i32, i32
  }
  func.func @transform_7(%arg0: i32) -> (i32, i32) {
    %c0_i32 = arith.constant 0 : i32
    %c0_i32_0 = arith.constant 0 : i32
    %c0_i32_1 = arith.constant 0 : i32
    return %c0_i32, %c0_i32_0 : i32, i32
  }
  func.func @transform_8(%arg0: i32) -> (i32, i32) {
    %c0_i32 = arith.constant 0 : i32
    %c0_i32_0 = arith.constant 0 : i32
    %c0_i32_1 = arith.constant 0 : i32
    return %c0_i32, %c0_i32_0 : i32, i32
  }
  func.func @transform_9(%arg0: i32) -> (i32, i32) {
    %c0_i32 = arith.constant 0 : i32
    %c0_i32_0 = arith.constant 0 : i32
    %c0_i32_1 = arith.constant 0 : i32
    return %c0_i32, %c0_i32_0 : i32, i32
  }
  func.func @transform_10(%arg0: i32) -> (i32, i32) {
    %c0_i32 = arith.constant 0 : i32
    %c0_i32_0 = arith.constant 0 : i32
    %c0_i32_1 = arith.constant 0 : i32
    return %c0_i32, %c0_i32_0 : i32, i32
  }
  func.func @transform_11(%arg0: i32) -> (i32, i32) {
    %c0_i32 = arith.constant 0 : i32
    %c0_i32_0 = arith.constant 0 : i32
    return %arg0, %c0_i32 : i32, i32
  }
  func.func @transform_12(%arg0: i32) -> (i32, i32) {
    %c0_i32 = arith.constant 0 : i32
    %c0_i32_0 = arith.constant 0 : i32
    return %arg0, %c0_i32 : i32, i32
  }
}

</mosaic_0001>

<sc_bundles>
// kernel: kernel.7.cloned.1.call-start
scs
__scs_entry_jumppad:
0x0: {  	(pc) =	sbr.rel $0x88, $3  }
0x1: {  	(tag) =	ssettag $0x0;
	lr =	simm.s32 $0x1  }
0x2: {  	[smem:$0x3F97] =	sst lr;
	_ =	strace $0xD0000000  }
0x3: {  	_ = 	snop  }
0x4: {  	_ = 	snop  }
0x5: {  	_ = 	snop  }
0x6: {  	_ = 	snop  }
0x7: {  	_ = 	snop  }
__scs_overlays_trampoline_lowered:
0x8: {  	[smem:$0x3FA6] =	sst s0  }
0x9: {  	[smem:$0x3FA7] =	sst s1  }
0xa: {  	[smem:$0x3FA8] =	sst s2  }
0xb: {  	[smem:$0x3FA9] =	sst s3  }
0xc: {  	[smem:$0x3FAA] =	sst s4  }
0xd: {  	[smem:$0x3FAB] =	sst s5  }
0xe: {  	[smem:$0x3FAC] =	sst s6  }
0xf: {  	[smem:$0x3FAD] =	sst s7  }
0x10: {  	[smem:$0x3FAE] =	sst s8  }
0x11: {  	[smem:$0x3FAF] =	sst s9;
	s0 =	simm.s32 @!p0 $0x0  }
0x12: {  	s1 =	sld [smem:$0x3F95];
	s0 =	simm.s32 @p0 $0x1  }
0x13: {  	[smem:$0x3FB0] =	sst s0;
	s0 =	simm.s32 @!p1 $0x0  }
0x14: {  	s2 =	sld [smem:$0x3F94];
	s0 =	simm.s32 @p1 $0x1  }
0x15: {  	[smem:$0x3FB1] =	sst s0;
	s0 =	simm.s32 @!p2 $0x0  }
0x16: {  	s3 =	sld [smem:$0x3FDB];
	s0 =	simm.s32 @p2 $0x1  }
0x17: {  	s4 =	simm.s32 $0x1BF5;
	[smem:$0x3FB3] =	sst s0  }
0x18: {  	s0 =	sld [smem:$0x3F96];
	_ =	swait.ge [sflag:s4], $0x0  }
0x19: {  	s7 =	sld [smem:$0x3F97]  }
0x1a: {  	s8 =	sadd.s32 $0xFFFFE003, lr  }
0x1b: {  	s9 =	sadd.s32 $0xFFFFFEF7, lr;
	s5 =	simm.s32 $0xFFFFFFFF;
	p2 =	slt.u32 s8, $0xFFFFF086  }
0x1c: {  	p1 =	slt.u32 s9, $0xF7A;
	s5 =	simm.s32 @!p2 $0x0  }
0x1d: {  	s5 =	simm.s32 @p1 $0x1;
	p0 =	seq.s32 s7, s2  }
0x1e: {  	s7 =	smul.u32 @!p0 $0xF7A, s2;
	p2 =	seq.s32 @!p0 s5, $0x0  }
0x1f: {  	s9 =	smul.u32 $0xF7A, s1;
	s8 =	simm.s32 @!p0 $0x1BF5;
	p2 =	por !p2, p0  }
0x20: {  	[sflag:s8] =	ssyncset.s32 @!p0 $0xFFFFF086;
	s6 =	sadd.s32 @!p0 s3, s7;
	s7 =	simm.s32 @!p0 $0x108  }
0x21: {  	s3 =	sadd.s32 s3, s9;
	s6 =	sadd.s32 @!p0 $0x88, s6;
	s7 =	simm.s32 @p2 $0x1082  }
0x22: {  	[simem:s7], [sflag:s8] =	dma.local @!p0 [hbm:s6], $0xF7A  }
0x23: {  	s9 =	sor.u32 $0xD0000000, s2;
	s6 =	simm.s32 $0x108;
	_ =	swait.ge @!p0 [sflag:s8], $0x0  }
0x24: {  	s3 =	sadd.s32 $0x88, s3;
	s6 =	simm.s32 @!p1 $0x1082;
	[sflag:s4] =	ssyncset.s32 $0xFFFFF086  }
0x25: {  	[simem:s6], [sflag:s4] =	dma.local [hbm:s3], $0xF7A  }
0x26: {  	[smem:$0x3F97] =	sst s1;
	(tag) =	ssettag s2;
	_ =	strace s9  }
0x27: {  	s1 =	sld [smem:$0x3FA7]  }
0x28: {  	s2 =	sld [smem:$0x3FA8]  }
0x29: {  	s4 =	sld [smem:$0x3FAA]  }
0x2a: {  	p0 =	seq.s32 s5, $0x0;
	s5 =	sld [smem:$0x3FAB]  }
0x2b: {  	s6 =	sld [smem:$0x3FAC]  }
0x2c: {  	s7 =	sld [smem:$0x3FAD]  }
0x2d: {  	s3 =	simm.s32 $0x108;
	s8 =	sld [smem:$0x3FAE]  }
0x2e: {  	s3 =	simm.s32 @!p0 $0x1082;
	s9 =	sld [smem:$0x3FAF]  }
0x2f: {  	lr =	sadd.s32 s0, s3;
	s0 =	sld [smem:$0x3FA6]  }
0x30: {  	s3 =	sld [smem:$0x3FA9]  }
0x31: {  	[smem:$0x3FB2] =	sst s10  }
0x32: {  	s10 =	sld [smem:$0x3FB0];
	_ =	sdelay $0x3  }
0x33: {  	p0 =	seq.s32 s10, $0x1;
	s10 =	sld [smem:$0x3FB2];
	_ =	sdelay $0x3  }
0x34: {  	[smem:$0x3FB2] =	sst s10  }
0x35: {  	s10 =	sld [smem:$0x3FB1];
	_ =	sdelay $0x3  }
0x36: {  	p1 =	seq.s32 s10, $0x1;
	s10 =	sld [smem:$0x3FB2];
	_ =	sdelay $0x3  }
0x37: {  	[smem:$0x3FB2] =	sst s10  }
0x38: {  	s10 =	sld [smem:$0x3FB3]  }
0x39: {  	_ = 	snop;
	(pc) =	sbr.ind lr, $3  }
0x3a: {  	_ = 	snop  }
0x3b: {  	_ = 	snop  }
0x3c: {  	p2 =	seq.s32 s10, $0x1;
	s10 =	sld [smem:$0x3FB2]  }
0x3d: {  	_ =	shalt  }
0x3e: {  	_ =	shalt  }
0x3f: {  	_ =	shalt  }
0x40: {  	_ =	shalt  }
0x41: {  	_ =	shalt  }
0x42: {  	_ =	shalt  }
0x43: {  	_ =	shalt  }
0x44: {  	_ =	shalt  }
0x45: {  	_ =	shalt  }
0x46: {  	_ =	shalt  }
0x47: {  	_ =	shalt  }
0x48: {  	_ =	shalt  }
0x49: {  	_ =	shalt  }
0x4a: {  	_ =	shalt  }
0x4b: {  	_ =	shalt  }
0x4c: {  	_ =	shalt  }
0x4d: {  	_ =	shalt  }
0x4e: {  	_ =	shalt  }
0x4f: {  	_ =	shalt  }
0x50: {  	_ =	shalt  }
0x51: {  	_ =	shalt  }
0x52: {  	_ =	shalt  }
0x53: {  	_ =	shalt  }
0x54: {  	_ =	shalt  }
0x55: {  	_ =	shalt  }
0x56: {  	_ =	shalt  }
0x57: {  	_ =	shalt  }
0x58: {  	_ =	shalt  }
0x59: {  	_ =	shalt  }
0x5a: {  	_ =	shalt  }
0x5b: {  	_ =	shalt  }
0x5c: {  	_ =	shalt  }
0x5d: {  	_ =	shalt  }
0x5e: {  	_ =	shalt  }
0x5f: {  	_ =	shalt  }
0x60: {  	_ =	shalt  }
0x61: {  	_ =	shalt  }
0x62: {  	_ =	shalt  }
0x63: {  	_ =	shalt  }
0x64: {  	_ =	shalt  }
0x65: {  	_ =	shalt  }
0x66: {  	_ =	shalt  }
0x67: {  	_ =	shalt  }
0x68: {  	_ =	shalt  }
0x69: {  	_ =	shalt  }
0x6a: {  	_ =	shalt  }
0x6b: {  	_ =	shalt  }
0x6c: {  	_ =	shalt  }
0x6d: {  	_ =	shalt  }
0x6e: {  	_ =	shalt  }
0x6f: {  	_ =	shalt  }
0x70: {  	_ =	shalt  }
0x71: {  	_ =	shalt  }
0x72: {  	_ =	shalt  }
0x73: {  	_ =	shalt  }
0x74: {  	_ =	shalt  }
0x75: {  	_ =	shalt  }
0x76: {  	_ =	shalt  }
0x77: {  	_ =	shalt  }
0x78: {  	_ =	shalt  }
0x79: {  	_ =	shalt  }
0x7a: {  	_ =	shalt  }
0x7b: {  	_ =	shalt  }
0x7c: {  	_ =	shalt  }
0x7d: {  	_ =	shalt  }
0x7e: {  	_ =	shalt  }
0x7f: {  	_ =	shalt  }
0x80: {  	_ =	shalt  }
0x81: {  	_ =	shalt  }
0x82: {  	_ =	shalt  }
0x83: {  	_ =	shalt  }
0x84: {  	_ =	shalt  }
0x85: {  	_ =	shalt  }
0x86: {  	_ =	shalt  }
0x87: {  	_ =	shalt  }
.Lfunc_end0:
.L_simem_size_0:
called_computation_lowered:
.L_overlay_start_0:
0x88: {  	s2 =	sld [smem:$0x3FD9]  }
0x89: {  	s3 =	sld [smem:$0x3FFE];
	_ =	sdelay $0x1  }
0x8a: {  	s1 =	srdreg.scid  }
0x8b: {  	s0 =	sand.u32 $0x1, s1  }
0x8c: {  	s17 =	sshll.u32 s0, $0xA;
	s2 =	sadd.s32 s3, s2  }
0x8d: {  	s2 =	sadd.s32 s2, s17  }
0x8e: {  	[smem:$0x3FBE] =	sst s2  }
0x8f: {  	_ = 	snop  }
0x90: {  	s2 =	sld [smem:$0x3FD0];
	(tm) =	ssettm $0x1  }
0x91: {  	s18 =	sld [smem:$0x3FFB];
	_ =	sdelay $0x3  }
0x92: {  	_ =	strace s18  }
0x93: {  	s3 =	sld [smem:$0x3FFC];
	_ =	sdelay $0x3  }
0x94: {  	_ =	strace s3  }
0x95: {  	s3 =	sld [smem:$0x3FFD];
	_ =	sdelay $0x3  }
0x96: {  	_ =	strace s3  }
0x97: {  	_ =	strace $0x8FFFFFFF  }
0x98: {  	s19 =	sld [smem:$0x3FDB];
	_ =	sdelay $0x1  }
0x99: {  	s4 =	simm.s32 $_scs_section_size  }
0x9a: {  	s5 =	simm.s32 $_size__tile_overlayer_lowered;
	s6 =	simm.s32 $_tile_overlayer_lowered  }
0x9b: {  	s22 =	simm.s32 $0x1BFF;
	s21 =	sshll.u32 s6, $0x1;
	s3 =	sadd.s32 s4, s19  }
0x9c: {  	s7 =	simm.s32 $0x0;
	s20 =	sshll.u32 s5, $0x1;
	s5 =	sadd.s32 s21, s3  }
0x9d: {  	[timem:s7], [sflag:s22] =	dma.local [hbm:s5], s20  }
0x9e: {  	_ =	swait.ge [sflag:s22], s20  }
0x9f: {  	s4 =	ssub.s32 $0x0, s20;
	[sflag:s22] =	ssyncset.done $0x0  }
0xa0: {  	[sflag:s22] =	ssyncadd.s32 s4;
	_ =	sdelay $0x1  }
0xa1: {  	s23 =	simm.s32 $0x1B8B  }
0xa2: {  	_ =	swait.ge [sflag:s23], $0x1  }
0xa3: {  	[sflag:s23] =	ssyncset.done $0x0  }
0xa4: {  	s25 =	simm.s32 $0x1B8E;
	s24 =	sld [smem:$0x3FFE];
	[sflag:s23] =	ssyncadd.s32 $0xFFFFFFFF  }
0xa5: {  	s26 =	simm.s32 $execute0_lowered;
	[smem:$0x3FD2] =	sst s25  }
0xa6: {  	s5 =	sshll.u32 s26, $0x1;
	_ =	strace $0x80000046;
	[dreg:$0x1] =	wrdreg $0xFFFFFFFF  }
0xa7: {  	s28 =	simm.s32 $_size_execute0_lowered;
	s3 =	sadd.s32 s3, s5;
	[dreg:$0x0] =	wrdreg $0x0  }
0xa8: {  	s5 =	sshll.u32 s28, $0x1;
	[dreg:$0x2] =	wrdreg s3  }
0xa9: {  	[dreg:$0x3] =	wrdreg s5  }
0xaa: {  	[dreg:$0x4] =	wrdreg $0xC0  }
0xab: {  	_ =	task [dreg:s7], $0x5FFFF  }
0xac: {  	[dreg:$0x1] =	wrdreg $0xFFFFFFFF  }
0xad: {  	[dreg:$0x0] =	wrdreg $0x60  }
0xae: {  	[dreg:$0x2] =	wrdreg s2  }
0xaf: {  	[dreg:$0x3] =	wrdreg s24  }
0xb0: {  	[dreg:$0x4] =	wrdreg $0x9  }
0xb1: {  	_ =	task.clear_ibuf [dreg:s7], $0x5FFFF;
	_ =	strace $0x90000046  }
0xb2: {  	s29 =	simm.s32 $0x9;
	_ =	strace $0x80000048  }
0xb3: {  	_ =	swait.ge [sflag:s29], $0x1  }
0xb4: {  	[sflag:s29] =	ssyncadd.s32 $0xFFFFFFFF  }
0xb5: {  	_ =	strace $0x90000048  }
0xb6: {  	_ =	sfence  }
0xb7: {  	s30 =	sld [smem:$0x0];
	_ =	sdelay $0x2  }
0xb8: {  	s31 =	sshll.u32 s1, $0xD;
	s1 =	sshrl.u32 s1, $0x2  }
0xb9: {  	s3 =	sand.u32 $0x4000, s31;
	s1 =	sadd.s32 s1, s30  }
0xba: {  	s0 =	sor.u32 s3, s0;
	s1 =	sshll.u32 s1, $0x11  }
0xbb: {  	s0 =	sor.u32 s1, s0  }
0xbc: {  	s0 =	sadd.s32 $0x8F2B, s0  }
0xbd: {  	[sflag:s0] =	ssyncadd.remote.s32 $0x1  }
0xbe: {  	_ =	sfence.sel $0xFFFF  }
0xbf: {  	[dreg:$0x0] =	wrdreg $0xFFFFFFFF;
	(pc) =	sbr.abs _section_cstart, $3  }
0xc0: {  	[dreg:$0x1] =	wrdreg $0xFFFFFFFF  }
0xc1: {  	_ =	task.clear_ibuf [dreg:s7], $0x2FFFF;
	_ =	strace $0x9FFFFFFF  }
0xc2: {  	(tm) =	ssettm $0x7FFFFFFF  }
0xc3: {  	_ =	shalt  }
tec
execute0_lowered:
.L_overlay_start_1:
0x0: {  	(tag) =	ssettag $0x1  }
0x1: {  	s4 =	rddreg [dreg:$0x0]  }
0x2: {  	s5 =	rddreg [dreg:$0x1]  }
0x3: {  	s0 =	rddreg [dreg:$0x2];
	s2 =	simm.s32 $0x0;
	s1 =	stileid.u32  }
0x4: {  	s6 =	srdreg.scid;
	s11 =	simm.s32 $0x0;
	[smem:$0x7FF] =	sst s2  }
0x5: {  	s3 =	sadd.s32 $0x42400, s5;
	s7 =	sshll.u32 s1, $0x13;
	s6 =	sand.u32 $0x1, s6  }
0x6: {  	s9 =	sshll.u32 s1, $0xF;
	_ =	strace $0x80000047;
	s8 =	ssub.s32 $0x2, s6  }
0x7: {  	s10 =	sshll.u32 s6, $0xE;
	s7 =	sadd.s32 s7, s5;
	s6 =	sshll.u32 s6, $0x12  }
0x8: {  	s30 =	sshrl.u32 s8, $0x1;
	s9 =	sor.u32 s10, s9;
	s6 =	sadd.s32 s6, s7  }
0x9: {  	s7 =	simm.s32 $0x2;
	s10 =	simm.s32 $0x1;
	s5 =	ssub.s32 s8, s30  }
0xa: {  	s31 =	sshrl.u32 s9, $0x3;
	s6 =	sadd.s32 $0x82400, s6;
	s8 =	simm.s32 $0x80  }
0xb: {  	s9 =	simm.s32 $0x4000;
	s4 =	sadd.s32 s4, s31;
	s5 =	smax.u32 s5, $0x1  }
.LBB2_1:
0xc: {  	[tilespmem:s2], [sflag:$0x2] =	stream.linear.gather [hbm4b:s4+s2], $0x4000, $0x38;
	[tilespmem:$0x8000] =	vst v63  }
0xd: {  	_ =	swait.ge [sflag:s7], $0x4000  }
0xe: {  	[sflag:s7] =	ssyncset.done $0x0  }
0xf: {  	s12 =	simm.s32 $0x0;
	[sflag:s7] =	ssyncadd.s32 $0xFFFFC000  }
0x10: {  	[tilespmem:s9], [sflag:$0x1] =	stream.indirect.gather [hbm4b:s3+s8], $0x80, s12, s8, $0xb8;
	[tilespmem:$0x8000] =	vst v63  }
0x11: {  	_ =	swait.ge [sflag:s10], $0x4000  }
0x12: {  	[sflag:s10] =	ssyncset.done $0x0  }
0x13: {  	[sflag:s10] =	ssyncadd.s32 $0xFFFFC000  }
0x14: {  	[hbm4b:s6+s2] =	stream.linear.scatter [tilespmem:s9], [sflag:$0x2], $0x4000, $0x38;
	[tilespmem:$0x8000] =	vst v63  }
0x15: {  	s13 =	simm.s32 $0x200;
	_ =	swait.ge [sflag:s7], $0x4000  }
0x16: {  	s14 =	simm.s32 $0x400;
	s12 =	sadd.s32 $0x800, s6;
	[sflag:s7] =	ssyncset.done $0x0  }
.LBB2_2:
0x17: {  	s15 =	sshra.s32 s13, $0x2  }
0x18: {  	[sflag:s7] =	ssyncadd.s32 $0xFFFFC000;
	s13 =	smov.u32 s14;
	s16 =	sadd.s32 $0x200, s14  }
0x19: {  	[tilespmem:s9], [sflag:$0x1] =	stream.indirect.gather [hbm4b:s3+s8], $0x80, s15, s8, $0xb8;
	[tilespmem:$0x8000] =	vst v63  }
0x1a: {  	p0 =	sne.s32 s14, $0xFE00;
	_ =	swait.ge [sflag:s10], $0x4000  }
.Ltmp0:
0x1b: {  	[sflag:s10] =	ssyncset.done $0x0;
	(pc) =	sbr.rel @p0 .LBB2_2-.Ltmp0, $4  }
0x1c: {  	[sflag:s10] =	ssyncadd.s32 $0xFFFFC000  }
0x1d: {  	[hbm4b:s12+s2] =	stream.linear.scatter [tilespmem:s9], [sflag:$0x2], $0x4000, $0x38;
	[tilespmem:$0x8000] =	vst v63  }
0x1e: {  	_ =	swait.ge [sflag:s7], $0x4000  }
0x1f: {  	s14 =	smov.u32 s16;
	s12 =	sadd.s32 $0x800, s12;
	[sflag:s7] =	ssyncset.done $0x0  }
0x20: {  	s13 =	sshra.s32 s13, $0x2;
	[sflag:s7] =	ssyncadd.s32 $0xFFFFC000  }
0x21: {  	[tilespmem:s9], [sflag:$0x1] =	stream.indirect.gather [hbm4b:s3+s8], $0x80, s13, s8, $0xb8;
	[tilespmem:$0x8000] =	vst v63  }
0x22: {  	s11 =	sadd.s32 $0x1, s11;
	_ =	swait.ge [sflag:s10], $0x4000  }
0x23: {  	p0 =	sne.s32 s11, s5;
	[sflag:s10] =	ssyncset.done $0x0  }
.Ltmp1:
0x24: {  	[sflag:s10] =	ssyncadd.s32 $0xFFFFC000;
	(pc) =	sbr.rel @p0 .LBB2_1-.Ltmp1, $4  }
0x25: {  	[hbm4b:s12+s2] =	stream.linear.scatter [tilespmem:s9], [sflag:$0x2], $0x4000, $0x38;
	[tilespmem:$0x8000] =	vst v63  }
0x26: {  	_ =	swait.ge [sflag:s7], $0x4000  }
0x27: {  	[sflag:s7] =	ssyncset.done $0x0  }
0x28: {  	[sflag:s7] =	ssyncadd.s32 $0xFFFFC000  }
0x29: {  	_ =	sfence.sel $0x180000  }
0x2a: {  	[bflag:$0x0] =	sbarrier.arrive $0xFFFF  }
0x2b: {  	p0 =	sne.s32 s1, $0x0;
	_ =	strace $0x90000047  }
0x2c: {  	s0 =	sadd.s32 @!p0 $0x100000, s0;
	[bflag:$0x2] =	sbarrier.arrive $0xFFFF  }
0x2d: {  	[sflag:s0] =	ssyncadd.tile.s32 @!p0 $0x1;
	_ =	shalt  }
.Lfunc_end2:
_tile_overlayer_lowered:
.L_overlay_start_2:
0x2e: {  	(tag) =	ssettag $0x2  }
0x2f: {  	s0 =	rddreg [dreg:$0x0];
	s2 =	stileid.u32  }
0x30: {  	s1 =	rddreg [dreg:$0x1];
	p0 =	sne.s32 s2, $0x0  }
0x31: {  	s3 =	rddreg [dreg:$0x2];
	[bflag:$0x3] =	sbarrier.arrive $0xFFFF;
	s2 =	simm.s32 @!p0 $0x1C02  }
0x32: {  	[timem:s3], [sflag:s2] =	dma.local @!p0 [hbm:s0], s1  }
0x33: {  	s0 =	simm.s32 @!p0 $0x2  }
0x34: {  	_ =	swait.ge @!p0 [sflag:s0], s1  }
0x35: {  	s1 =	ssub.s32 @!p0 $0x0, s1;
	[sflag:s0] =	ssyncset.done @!p0 $0x0  }
0x36: {  	[sflag:s0] =	ssyncadd.s32 @!p0 s1  }
0x37: {  	[bflag:$0x3] =	sbarrier.arrive $0xFFFF  }
0x38: {  	_ =	shalt  }

</sc_bundles>
